<compile_context>
chip_gen: v7x
topology: tpu7x:2x2x1
jax: 0.10.2.dev20260603
libtpu: 0.0.44.dev20260713+nightly
codegen_flags: <defaults>
</compile_context>

<pallas_src>
import functools

import numpy as np
import jax
import jax.numpy as jnp
from jax import lax
from jax.experimental import pallas as pl
from jax.experimental.pallas import tpu as pltpu
from jax.experimental.pallas import tpu_sc as plsc

_NUM_T = 1000

_beta = np.linspace(0.0001, 0.02, _NUM_T).astype(np.float32)
_ac = np.cumprod((1.0 - _beta).astype(np.float32), dtype=np.float32)
_TABLE_A = np.sqrt(_ac).astype(np.float32)
_TABLE_B = np.sqrt(1.0 - _ac).astype(np.float32)

_B = 128
_C = 3
_H = 256
_W = 256
_BB = 4
_L = 16
_NW = _B // _L


@functools.partial(
    pl.kernel,
    out_type=[
        jax.ShapeDtypeStruct((_B,), jnp.float32),
        jax.ShapeDtypeStruct((_B,), jnp.float32),
    ],
    mesh=plsc.VectorSubcoreMesh(core_axis_name="c", subcore_axis_name="s"),
    scratch_types=[
        pltpu.VMEM((_L,), jnp.int32),
        pltpu.VMEM((_L,), jnp.float32),
        pltpu.VMEM((_L,), jnp.float32),
        pltpu.SemaphoreType.DMA,
    ],
)
def _sc_gather(t_hbm, ta_hbm, tb_hbm, oa_hbm, ob_hbm, t_v, a_v, b_v, sem):
    nc = 2
    wid = lax.axis_index("s") * nc + lax.axis_index("c")

    @pl.when(wid < _NW)
    def _():
        base = wid * _L
        pltpu.sync_copy(t_hbm.at[pl.ds(base, _L)], t_v)
        pltpu.async_copy(ta_hbm.at[t_v], a_v, sem).wait()
        pltpu.async_copy(tb_hbm.at[t_v], b_v, sem).wait()
        pltpu.sync_copy(a_v, oa_hbm.at[pl.ds(base, _L)])
        pltpu.sync_copy(b_v, ob_hbm.at[pl.ds(base, _L)])


def _tc_body(ca_ref, cb_ref, x_ref, n_ref, o_ref):
    g = pl.program_id(0)
    for i in range(_BB):
        a = ca_ref[g * _BB + i]
        c = cb_ref[g * _BB + i]
        o_ref[i] = a * x_ref[i] + c * n_ref[i]


def kernel(x_start, t, noise):
    ti = t.astype(jnp.int32)
    ta = jnp.asarray(_TABLE_A)
    tb = jnp.asarray(_TABLE_B)

    ca, cb = _sc_gather(ti, ta, tb)

    blk = (_BB, _C, _H, _W)
    grid_spec = pltpu.PrefetchScalarGridSpec(
        num_scalar_prefetch=2,
        grid=(_B // _BB,),
        in_specs=[
            pl.BlockSpec(blk, lambda b, *_: (b, 0, 0, 0)),
            pl.BlockSpec(blk, lambda b, *_: (b, 0, 0, 0)),
        ],
        out_specs=pl.BlockSpec(blk, lambda b, *_: (b, 0, 0, 0)),
    )
    out = pl.pallas_call(
        _tc_body,
        grid_spec=grid_spec,
        out_shape=jax.ShapeDtypeStruct((_B, _C, _H, _W), jnp.float32),
        compiler_params=pltpu.CompilerParams(
            dimension_semantics=("parallel",),
        ),
    )(ca, cb, x_start, noise)
    return out

# --- scband reference (transcript-rebuilt; emitter-appended) ---
"""Pipeline reference for scband-ddpm-scheduler-120259084665 (READ-ONLY COPY).

The authoritative reference and input builder live on the scoring server;
editing this copy changes nothing except your own understanding.
"""

import jax, jax.numpy as jnp
import numpy as np

NUM_TIME_STEPS = 1000


def _extract(a, t, ndim):
    # gather per-timestep scalars and reshape for broadcasting: a[t] -> [B,1,1,1]
    out = jnp.take(a, t, axis=0)
    return out.reshape((-1,) + (1,) * (ndim - 1))


def setup_inputs(seed: int = 0) -> dict:
    key = jax.random.key(seed)
    k1, k2, k3 = jax.random.split(key, 3)
    x_start = jax.random.normal(k1, (128, 3, 256, 256), dtype=jnp.float32)
    t = jax.random.randint(k2, (128,), 0, NUM_TIME_STEPS, dtype=jnp.int64)
    noise = jax.random.normal(k3, (128, 3, 256, 256), dtype=jnp.float32)
    return {"x_start": x_start, "t": t, "noise": noise}


def reference(x_start, t, noise):
    # DDPM_Scheduler buffers, derived from __init__(num_time_steps=1000)
    beta = jnp.linspace(0.0001, 0.02, NUM_TIME_STEPS, dtype=jnp.float32)
    alphas = 1.0 - beta
    alphas_cumprod = jnp.cumprod(alphas, axis=0)
    sqrt_alphas_cumprod = jnp.sqrt(alphas_cumprod)
    sqrt_one_minus_alphas_cumprod = jnp.sqrt(1.0 - alphas_cumprod)
    # noise_sample: x_t = sqrt(ac_t) * x_0 + sqrt(1 - ac_t) * eps
    a = _extract(sqrt_alphas_cumprod, t, x_start.ndim)
    b = _extract(sqrt_one_minus_alphas_cumprod, t, x_start.ndim)
    noised = a * x_start + b * noise
    return noised

if __name__ == "__main__":
    import jax
    _d = setup_inputs()
    print(jax.jit(kernel)(*tuple(_d.values())))

</pallas_src>

<mosaic_0001>
#map = affine_map<(d0, d1) -> (0)>
module attributes {stable_mosaic.version = 14 : i64} {
  func.func @_sc_gather(%arg0: i32, %arg1: i32, %arg2: memref<128xi32, #tpu.memory_space<hbm>>, %arg3: memref<1000xf32, #tpu.memory_space<hbm>>, %arg4: memref<1000xf32, #tpu.memory_space<hbm>>, %arg5: memref<128xf32, #tpu.memory_space<hbm>>, %arg6: memref<128xf32, #tpu.memory_space<hbm>>, %arg7: memref<16xi32, #tpu.memory_space<vmem>>, %arg8: memref<16xf32, #tpu.memory_space<vmem>>, %arg9: memref<16xf32, #tpu.memory_space<vmem>>, %arg10: memref<!tpu.dma_semaphore, #tpu.memory_space<semaphore_mem>>) attributes {dimension_semantics = [#tpu.dimension_semantics<core_parallel>, #tpu.dimension_semantics<subcore_parallel>], iteration_bounds = array<i64: 2, 16>, scalar_prefetch = 0 : i64, scratch_operands = 4 : i64, tpu.core_type = #tpu.core_type<sc_vector_subcore>, window_params = [{transform_indices = #map}, {transform_indices = #map}, {transform_indices = #map}, {transform_indices = #map}, {transform_indices = #map}]} {
    %mul3A = arith.constant 2 : i32
    %mul3A_0 = arith.muli %arg1, %mul3A : i32
    %add3A = arith.addi %mul3A_0, %arg0 : i32
    %lt3A = arith.constant 8 : i32
    %lt3A_1 = arith.cmpi slt, %add3A, %lt3A : i32
    %convert_element_type3A = arith.extui %lt3A_1 : i1 to i32
    %cond3A = arith.constant 0 : i32
    %cond3A_2 = arith.cmpi ne, %convert_element_type3A, %cond3A : i32
    scf.if %cond3A_2 {
      %mul3A_3 = arith.constant 16 : i32
      %mul3A_4 = arith.muli %add3A, %mul3A_3 : i32
      "tpu.region"() ({
        %run_scoped3A = tpu.sem_alloc : memref<!tpu.dma_semaphore, #tpu.memory_space<semaphore_mem>>
        %dma_start3A_11 = tpu.memref_slice %arg2[%mul3A_4] : memref<128xi32, #tpu.memory_space<hbm>> -> memref<16xi32, #tpu.memory_space<hbm>>
        %dma_start3A_12 = tpu.memref_slice %arg2[%mul3A_4] : memref<128xi32, #tpu.memory_space<hbm>> -> memref<16xi32, #tpu.memory_space<hbm>>
        tpu.enqueue_dma source(%dma_start3A_12 : memref<16xi32, #tpu.memory_space<hbm>>) target(%arg7 : memref<16xi32, #tpu.memory_space<vmem>>) target_semaphore(%run_scoped3A : memref<!tpu.dma_semaphore, #tpu.memory_space<semaphore_mem>>)
        %dma_wait3A_13 = tpu.memref_slice %arg2[%mul3A_4] : memref<128xi32, #tpu.memory_space<hbm>> -> memref<16xi32, #tpu.memory_space<hbm>>
        %dma_wait3A_14 = tpu.memref_slice %arg2[%mul3A_4] : memref<128xi32, #tpu.memory_space<hbm>> -> memref<16xi32, #tpu.memory_space<hbm>>
        tpu.wait_dma2 semaphore(%run_scoped3A : memref<!tpu.dma_semaphore, #tpu.memory_space<semaphore_mem>>) src(%dma_wait3A_14 : memref<16xi32, #tpu.memory_space<hbm>>) dst(%arg7 : memref<16xi32, #tpu.memory_space<vmem>>)
        tpu.yield
      }) : () -> ()
      %dma_start3A = arith.constant 0 : i32
      %dma_start3A_5 = tpu.memref_slice %arg3[%dma_start3A] : memref<1000xf32, #tpu.memory_space<hbm>> -> memref<1000xf32, #tpu.memory_space<hbm>>
      tpu.enqueue_indirect_dma source(%dma_start3A_5 : memref<1000xf32, #tpu.memory_space<hbm>>) target(%arg8 : memref<16xf32, #tpu.memory_space<vmem>>) offsets(%arg7 : memref<16xi32, #tpu.memory_space<vmem>>) semaphore(%arg10 : memref<!tpu.dma_semaphore, #tpu.memory_space<semaphore_mem>>)
      %dma_wait3A = arith.constant 0 : i32
      %dma_wait3A_6 = tpu.memref_slice %arg3[%dma_wait3A] : memref<1000xf32, #tpu.memory_space<hbm>> -> memref<1000xf32, #tpu.memory_space<hbm>>
      tpu.wait_indirect_dma semaphore(%arg10 : memref<!tpu.dma_semaphore, #tpu.memory_space<semaphore_mem>>) src(%dma_wait3A_6 : memref<1000xf32, #tpu.memory_space<hbm>>) dst(%arg8 : memref<16xf32, #tpu.memory_space<vmem>>)
      %dma_start3A_7 = arith.constant 0 : i32
      %dma_start3A_8 = tpu.memref_slice %arg4[%dma_start3A_7] : memref<1000xf32, #tpu.memory_space<hbm>> -> memref<1000xf32, #tpu.memory_space<hbm>>
      tpu.enqueue_indirect_dma source(%dma_start3A_8 : memref<1000xf32, #tpu.memory_space<hbm>>) target(%arg9 : memref<16xf32, #tpu.memory_space<vmem>>) offsets(%arg7 : memref<16xi32, #tpu.memory_space<vmem>>) semaphore(%arg10 : memref<!tpu.dma_semaphore, #tpu.memory_space<semaphore_mem>>)
      %dma_wait3A_9 = arith.constant 0 : i32
      %dma_wait3A_10 = tpu.memref_slice %arg4[%dma_wait3A_9] : memref<1000xf32, #tpu.memory_space<hbm>> -> memref<1000xf32, #tpu.memory_space<hbm>>
      tpu.wait_indirect_dma semaphore(%arg10 : memref<!tpu.dma_semaphore, #tpu.memory_space<semaphore_mem>>) src(%dma_wait3A_10 : memref<1000xf32, #tpu.memory_space<hbm>>) dst(%arg9 : memref<16xf32, #tpu.memory_space<vmem>>)
      "tpu.region"() ({
        %run_scoped3A = tpu.sem_alloc : memref<!tpu.dma_semaphore, #tpu.memory_space<semaphore_mem>>
        %dma_start3A_11 = tpu.memref_slice %arg5[%mul3A_4] : memref<128xf32, #tpu.memory_space<hbm>> -> memref<16xf32, #tpu.memory_space<hbm>>
        %dma_start3A_12 = tpu.memref_slice %arg5[%mul3A_4] : memref<128xf32, #tpu.memory_space<hbm>> -> memref<16xf32, #tpu.memory_space<hbm>>
        tpu.enqueue_dma source(%arg8 : memref<16xf32, #tpu.memory_space<vmem>>) target(%dma_start3A_12 : memref<16xf32, #tpu.memory_space<hbm>>) target_semaphore(%run_scoped3A : memref<!tpu.dma_semaphore, #tpu.memory_space<semaphore_mem>>)
        %dma_wait3A_13 = tpu.memref_slice %arg5[%mul3A_4] : memref<128xf32, #tpu.memory_space<hbm>> -> memref<16xf32, #tpu.memory_space<hbm>>
        %dma_wait3A_14 = tpu.memref_slice %arg5[%mul3A_4] : memref<128xf32, #tpu.memory_space<hbm>> -> memref<16xf32, #tpu.memory_space<hbm>>
        tpu.wait_dma2 semaphore(%run_scoped3A : memref<!tpu.dma_semaphore, #tpu.memory_space<semaphore_mem>>) src(%arg8 : memref<16xf32, #tpu.memory_space<vmem>>) dst(%dma_wait3A_14 : memref<16xf32, #tpu.memory_space<hbm>>)
        tpu.yield
      }) : () -> ()
      "tpu.region"() ({
        %run_scoped3A = tpu.sem_alloc : memref<!tpu.dma_semaphore, #tpu.memory_space<semaphore_mem>>
        %dma_start3A_11 = tpu.memref_slice %arg6[%mul3A_4] : memref<128xf32, #tpu.memory_space<hbm>> -> memref<16xf32, #tpu.memory_space<hbm>>
        %dma_start3A_12 = tpu.memref_slice %arg6[%mul3A_4] : memref<128xf32, #tpu.memory_space<hbm>> -> memref<16xf32, #tpu.memory_space<hbm>>
        tpu.enqueue_dma source(%arg9 : memref<16xf32, #tpu.memory_space<vmem>>) target(%dma_start3A_12 : memref<16xf32, #tpu.memory_space<hbm>>) target_semaphore(%run_scoped3A : memref<!tpu.dma_semaphore, #tpu.memory_space<semaphore_mem>>)
        %dma_wait3A_13 = tpu.memref_slice %arg6[%mul3A_4] : memref<128xf32, #tpu.memory_space<hbm>> -> memref<16xf32, #tpu.memory_space<hbm>>
        %dma_wait3A_14 = tpu.memref_slice %arg6[%mul3A_4] : memref<128xf32, #tpu.memory_space<hbm>> -> memref<16xf32, #tpu.memory_space<hbm>>
        tpu.wait_dma2 semaphore(%run_scoped3A : memref<!tpu.dma_semaphore, #tpu.memory_space<semaphore_mem>>) src(%arg9 : memref<16xf32, #tpu.memory_space<vmem>>) dst(%dma_wait3A_14 : memref<16xf32, #tpu.memory_space<hbm>>)
        tpu.yield
      }) : () -> ()
    } else {
    }
    return
  }
}

module attributes {stable_mosaic.version = 14 : i64} {
  func.func @_tc_body(%arg0: i32, %arg1: memref<128xf32, #tpu.memory_space<smem>>, %arg2: memref<128xf32, #tpu.memory_space<smem>>, %arg3: memref<4x3x256x256xf32, #tpu.memory_space<vmem>>, %arg4: memref<4x3x256x256xf32, #tpu.memory_space<vmem>>, %arg5: memref<4x3x256x256xf32, #tpu.memory_space<vmem>>) attributes {dimension_semantics = [#tpu.dimension_semantics<parallel>], iteration_bounds = array<i64: 32>, scalar_prefetch = 2 : i64, scratch_operands = 0 : i64, tpu.core_type = #tpu.core_type<tc>, window_params = [{transform_indices = @transform_0, window_bounds = array<i64: 4, 3, 256, 256>}, {transform_indices = @transform_1, window_bounds = array<i64: 4, 3, 256, 256>}, {transform_indices = @transform_2, window_bounds = array<i64: 4, 3, 256, 256>}]} {
    %mul3A = arith.constant 4 : i32
    %mul3A_0 = arith.muli %arg0, %mul3A : i32
    %add3A = arith.constant 0 : i32
    %add3A_1 = arith.addi %mul3A_0, %add3A : i32
    %get3A = arith.index_cast %add3A_1 : i32 to index
    %get3A_2 = memref.load %arg1[%get3A] : memref<128xf32, #tpu.memory_space<smem>>
    %mul3A_3 = arith.constant 4 : i32
    %mul3A_4 = arith.muli %arg0, %mul3A_3 : i32
    %add3A_5 = arith.constant 0 : i32
    %add3A_6 = arith.addi %mul3A_4, %add3A_5 : i32
    %get3A_7 = arith.index_cast %add3A_6 : i32 to index
    %get3A_8 = memref.load %arg2[%get3A_7] : memref<128xf32, #tpu.memory_space<smem>>
    %get3A_9 = arith.constant 0 : index
    %get3A_10 = arith.constant 0 : index
    %get3A_11 = arith.constant 0 : index
    %get3A_12 = arith.constant 0 : index
    %get3A_13 = vector.load %arg3[%get3A_9, %get3A_10, %get3A_11, %get3A_12] : memref<4x3x256x256xf32, #tpu.memory_space<vmem>>, vector<1x3x256x256xf32>
    %get3A_14 = vector.shape_cast %get3A_13 : vector<1x3x256x256xf32> to vector<3x256x256xf32>
    %mul3A_15 = vector.broadcast %get3A_2 : f32 to vector<3x256x256xf32>
    %mul3A_16 = arith.mulf %mul3A_15, %get3A_14 : vector<3x256x256xf32>
    %get3A_17 = arith.constant 0 : index
    %get3A_18 = arith.constant 0 : index
    %get3A_19 = arith.constant 0 : index
    %get3A_20 = arith.constant 0 : index
    %get3A_21 = vector.load %arg4[%get3A_17, %get3A_18, %get3A_19, %get3A_20] : memref<4x3x256x256xf32, #tpu.memory_space<vmem>>, vector<1x3x256x256xf32>
    %get3A_22 = vector.shape_cast %get3A_21 : vector<1x3x256x256xf32> to vector<3x256x256xf32>
    %mul3A_23 = vector.broadcast %get3A_8 : f32 to vector<3x256x256xf32>
    %mul3A_24 = arith.mulf %mul3A_23, %get3A_22 : vector<3x256x256xf32>
    %add3A_25 = arith.addf %mul3A_16, %mul3A_24 : vector<3x256x256xf32>
    %swap3A = arith.constant 0 : index
    %swap3A_26 = arith.constant 0 : index
    %swap3A_27 = arith.constant 0 : index
    %swap3A_28 = arith.constant 0 : index
    %swap3A_29 = vector.load %arg5[%swap3A, %swap3A_26, %swap3A_27, %swap3A_28] : memref<4x3x256x256xf32, #tpu.memory_space<vmem>>, vector<1x3x256x256xf32>
    %swap3A_30 = vector.shape_cast %swap3A_29 : vector<1x3x256x256xf32> to vector<3x256x256xf32>
    %swap3A_31 = vector.shape_cast %add3A_25 : vector<3x256x256xf32> to vector<1x3x256x256xf32>
    tpu.vector_store %arg5[%swap3A, %swap3A_26, %swap3A_27, %swap3A_28], %swap3A_31 {strides = array<i32>} : memref<4x3x256x256xf32, #tpu.memory_space<vmem>>, vector<1x3x256x256xf32>,
    %mul3A_32 = arith.constant 4 : i32
    %mul3A_33 = arith.muli %arg0, %mul3A_32 : i32
    %add3A_34 = arith.constant 1 : i32
    %add3A_35 = arith.addi %mul3A_33, %add3A_34 : i32
    %get3A_36 = arith.index_cast %add3A_35 : i32 to index
    %get3A_37 = memref.load %arg1[%get3A_36] : memref<128xf32, #tpu.memory_space<smem>>
    %mul3A_38 = arith.constant 4 : i32
    %mul3A_39 = arith.muli %arg0, %mul3A_38 : i32
    %add3A_40 = arith.constant 1 : i32
    %add3A_41 = arith.addi %mul3A_39, %add3A_40 : i32
    %get3A_42 = arith.index_cast %add3A_41 : i32 to index
    %get3A_43 = memref.load %arg2[%get3A_42] : memref<128xf32, #tpu.memory_space<smem>>
    %get3A_44 = arith.constant 1 : index
    %get3A_45 = arith.constant 0 : index
    %get3A_46 = arith.constant 0 : index
    %get3A_47 = arith.constant 0 : index
    %get3A_48 = vector.load %arg3[%get3A_44, %get3A_45, %get3A_46, %get3A_47] : memref<4x3x256x256xf32, #tpu.memory_space<vmem>>, vector<1x3x256x256xf32>
    %get3A_49 = vector.shape_cast %get3A_48 : vector<1x3x256x256xf32> to vector<3x256x256xf32>
    %mul3A_50 = vector.broadcast %get3A_37 : f32 to vector<3x256x256xf32>
    %mul3A_51 = arith.mulf %mul3A_50, %get3A_49 : vector<3x256x256xf32>
    %get3A_52 = arith.constant 1 : index
    %get3A_53 = arith.constant 0 : index
    %get3A_54 = arith.constant 0 : index
    %get3A_55 = arith.constant 0 : index
    %get3A_56 = vector.load %arg4[%get3A_52, %get3A_53, %get3A_54, %get3A_55] : memref<4x3x256x256xf32, #tpu.memory_space<vmem>>, vector<1x3x256x256xf32>
    %get3A_57 = vector.shape_cast %get3A_56 : vector<1x3x256x256xf32> to vector<3x256x256xf32>
    %mul3A_58 = vector.broadcast %get3A_43 : f32 to vector<3x256x256xf32>
    %mul3A_59 = arith.mulf %mul3A_58, %get3A_57 : vector<3x256x256xf32>
    %add3A_60 = arith.addf %mul3A_51, %mul3A_59 : vector<3x256x256xf32>
    %swap3A_61 = arith.constant 1 : index
    %swap3A_62 = arith.constant 0 : index
    %swap3A_63 = arith.constant 0 : index
    %swap3A_64 = arith.constant 0 : index
    %swap3A_65 = vector.load %arg5[%swap3A_61, %swap3A_62, %swap3A_63, %swap3A_64] : memref<4x3x256x256xf32, #tpu.memory_space<vmem>>, vector<1x3x256x256xf32>
    %swap3A_66 = vector.shape_cast %swap3A_65 : vector<1x3x256x256xf32> to vector<3x256x256xf32>
    %swap3A_67 = vector.shape_cast %add3A_60 : vector<3x256x256xf32> to vector<1x3x256x256xf32>
    tpu.vector_store %arg5[%swap3A_61, %swap3A_62, %swap3A_63, %swap3A_64], %swap3A_67 {strides = array<i32>} : memref<4x3x256x256xf32, #tpu.memory_space<vmem>>, vector<1x3x256x256xf32>,
    %mul3A_68 = arith.constant 4 : i32
    %mul3A_69 = arith.muli %arg0, %mul3A_68 : i32
    %add3A_70 = arith.constant 2 : i32
    %add3A_71 = arith.addi %mul3A_69, %add3A_70 : i32
    %get3A_72 = arith.index_cast %add3A_71 : i32 to index
    %get3A_73 = memref.load %arg1[%get3A_72] : memref<128xf32, #tpu.memory_space<smem>>
    %mul3A_74 = arith.constant 4 : i32
    %mul3A_75 = arith.muli %arg0, %mul3A_74 : i32
    %add3A_76 = arith.constant 2 : i32
    %add3A_77 = arith.addi %mul3A_75, %add3A_76 : i32
    %get3A_78 = arith.index_cast %add3A_77 : i32 to index
    %get3A_79 = memref.load %arg2[%get3A_78] : memref<128xf32, #tpu.memory_space<smem>>
    %get3A_80 = arith.constant 2 : index
    %get3A_81 = arith.constant 0 : index
    %get3A_82 = arith.constant 0 : index
    %get3A_83 = arith.constant 0 : index
    %get3A_84 = vector.load %arg3[%get3A_80, %get3A_81, %get3A_82, %get3A_83] : memref<4x3x256x256xf32, #tpu.memory_space<vmem>>, vector<1x3x256x256xf32>
    %get3A_85 = vector.shape_cast %get3A_84 : vector<1x3x256x256xf32> to vector<3x256x256xf32>
    %mul3A_86 = vector.broadcast %get3A_73 : f32 to vector<3x256x256xf32>
    %mul3A_87 = arith.mulf %mul3A_86, %get3A_85 : vector<3x256x256xf32>
    %get3A_88 = arith.constant 2 : index
    %get3A_89 = arith.constant 0 : index
    %get3A_90 = arith.constant 0 : index
    %get3A_91 = arith.constant 0 : index
    %get3A_92 = vector.load %arg4[%get3A_88, %get3A_89, %get3A_90, %get3A_91] : memref<4x3x256x256xf32, #tpu.memory_space<vmem>>, vector<1x3x256x256xf32>
    %get3A_93 = vector.shape_cast %get3A_92 : vector<1x3x256x256xf32> to vector<3x256x256xf32>
    %mul3A_94 = vector.broadcast %get3A_79 : f32 to vector<3x256x256xf32>
    %mul3A_95 = arith.mulf %mul3A_94, %get3A_93 : vector<3x256x256xf32>
    %add3A_96 = arith.addf %mul3A_87, %mul3A_95 : vector<3x256x256xf32>
    %swap3A_97 = arith.constant 2 : index
    %swap3A_98 = arith.constant 0 : index
    %swap3A_99 = arith.constant 0 : index
    %swap3A_100 = arith.constant 0 : index
    %swap3A_101 = vector.load %arg5[%swap3A_97, %swap3A_98, %swap3A_99, %swap3A_100] : memref<4x3x256x256xf32, #tpu.memory_space<vmem>>, vector<1x3x256x256xf32>
    %swap3A_102 = vector.shape_cast %swap3A_101 : vector<1x3x256x256xf32> to vector<3x256x256xf32>
    %swap3A_103 = vector.shape_cast %add3A_96 : vector<3x256x256xf32> to vector<1x3x256x256xf32>
    tpu.vector_store %arg5[%swap3A_97, %swap3A_98, %swap3A_99, %swap3A_100], %swap3A_103 {strides = array<i32>} : memref<4x3x256x256xf32, #tpu.memory_space<vmem>>, vector<1x3x256x256xf32>,
    %mul3A_104 = arith.constant 4 : i32
    %mul3A_105 = arith.muli %arg0, %mul3A_104 : i32
    %add3A_106 = arith.constant 3 : i32
    %add3A_107 = arith.addi %mul3A_105, %add3A_106 : i32
    %get3A_108 = arith.index_cast %add3A_107 : i32 to index
    %get3A_109 = memref.load %arg1[%get3A_108] : memref<128xf32, #tpu.memory_space<smem>>
    %mul3A_110 = arith.constant 4 : i32
    %mul3A_111 = arith.muli %arg0, %mul3A_110 : i32
    %add3A_112 = arith.constant 3 : i32
    %add3A_113 = arith.addi %mul3A_111, %add3A_112 : i32
    %get3A_114 = arith.index_cast %add3A_113 : i32 to index
    %get3A_115 = memref.load %arg2[%get3A_114] : memref<128xf32, #tpu.memory_space<smem>>
    %get3A_116 = arith.constant 3 : index
    %get3A_117 = arith.constant 0 : index
    %get3A_118 = arith.constant 0 : index
    %get3A_119 = arith.constant 0 : index
    %get3A_120 = vector.load %arg3[%get3A_116, %get3A_117, %get3A_118, %get3A_119] : memref<4x3x256x256xf32, #tpu.memory_space<vmem>>, vector<1x3x256x256xf32>
    %get3A_121 = vector.shape_cast %get3A_120 : vector<1x3x256x256xf32> to vector<3x256x256xf32>
    %mul3A_122 = vector.broadcast %get3A_109 : f32 to vector<3x256x256xf32>
    %mul3A_123 = arith.mulf %mul3A_122, %get3A_121 : vector<3x256x256xf32>
    %get3A_124 = arith.constant 3 : index
    %get3A_125 = arith.constant 0 : index
    %get3A_126 = arith.constant 0 : index
    %get3A_127 = arith.constant 0 : index
    %get3A_128 = vector.load %arg4[%get3A_124, %get3A_125, %get3A_126, %get3A_127] : memref<4x3x256x256xf32, #tpu.memory_space<vmem>>, vector<1x3x256x256xf32>
    %get3A_129 = vector.shape_cast %get3A_128 : vector<1x3x256x256xf32> to vector<3x256x256xf32>
    %mul3A_130 = vector.broadcast %get3A_115 : f32 to vector<3x256x256xf32>
    %mul3A_131 = arith.mulf %mul3A_130, %get3A_129 : vector<3x256x256xf32>
    %add3A_132 = arith.addf %mul3A_123, %mul3A_131 : vector<3x256x256xf32>
    %swap3A_133 = arith.constant 3 : index
    %swap3A_134 = arith.constant 0 : index
    %swap3A_135 = arith.constant 0 : index
    %swap3A_136 = arith.constant 0 : index
    %swap3A_137 = vector.load %arg5[%swap3A_133, %swap3A_134, %swap3A_135, %swap3A_136] : memref<4x3x256x256xf32, #tpu.memory_space<vmem>>, vector<1x3x256x256xf32>
    %swap3A_138 = vector.shape_cast %swap3A_137 : vector<1x3x256x256xf32> to vector<3x256x256xf32>
    %swap3A_139 = vector.shape_cast %add3A_132 : vector<3x256x256xf32> to vector<1x3x256x256xf32>
    tpu.vector_store %arg5[%swap3A_133, %swap3A_134, %swap3A_135, %swap3A_136], %swap3A_139 {strides = array<i32>} : memref<4x3x256x256xf32, #tpu.memory_space<vmem>>, vector<1x3x256x256xf32>,
    return
  }
  func.func @transform_0(%arg0: i32, %arg1: memref<128xf32, #tpu.memory_space<smem>>, %arg2: memref<128xf32, #tpu.memory_space<smem>>) -> (i32, i32, i32, i32) {
    %c0_i32 = arith.constant 0 : i32
    %c0_i32_0 = arith.constant 0 : i32
    %c0_i32_1 = arith.constant 0 : i32
    %c0_i32_2 = arith.constant 0 : i32
    return %arg0, %c0_i32, %c0_i32_0, %c0_i32_1 : i32, i32, i32, i32
  }
  func.func @transform_1(%arg0: i32, %arg1: memref<128xf32, #tpu.memory_space<smem>>, %arg2: memref<128xf32, #tpu.memory_space<smem>>) -> (i32, i32, i32, i32) {
    %c0_i32 = arith.constant 0 : i32
    %c0_i32_0 = arith.constant 0 : i32
    %c0_i32_1 = arith.constant 0 : i32
    %c0_i32_2 = arith.constant 0 : i32
    return %arg0, %c0_i32, %c0_i32_0, %c0_i32_1 : i32, i32, i32, i32
  }
  func.func @transform_2(%arg0: i32, %arg1: memref<128xf32, #tpu.memory_space<smem>>, %arg2: memref<128xf32, #tpu.memory_space<smem>>) -> (i32, i32, i32, i32) {
    %c0_i32 = arith.constant 0 : i32
    %c0_i32_0 = arith.constant 0 : i32
    %c0_i32_1 = arith.constant 0 : i32
    %c0_i32_2 = arith.constant 0 : i32
    return %arg0, %c0_i32, %c0_i32_0, %c0_i32_1 : i32, i32, i32, i32
  }
}

</mosaic_0001>

<sc_bundles>
// kernel: kernel.4.cloned.1.call-start
scs
__scs_entry_jumppad:
0x0: {  	(pc) =	sbr.rel $0x88, $3  }
0x1: {  	(tag) =	ssettag $0x0;
	lr =	simm.s32 $0x1  }
0x2: {  	[smem:$0x3F9E] =	sst lr;
	_ =	strace $0xD0000000  }
0x3: {  	_ = 	snop  }
0x4: {  	_ = 	snop  }
0x5: {  	_ = 	snop  }
0x6: {  	_ = 	snop  }
0x7: {  	_ = 	snop  }
__scs_overlays_trampoline_lowered:
0x8: {  	[smem:$0x3FAD] =	sst s0  }
0x9: {  	[smem:$0x3FAE] =	sst s1  }
0xa: {  	[smem:$0x3FAF] =	sst s2  }
0xb: {  	[smem:$0x3FB0] =	sst s3  }
0xc: {  	[smem:$0x3FB1] =	sst s4  }
0xd: {  	[smem:$0x3FB2] =	sst s5  }
0xe: {  	[smem:$0x3FB3] =	sst s6  }
0xf: {  	[smem:$0x3FB4] =	sst s7  }
0x10: {  	[smem:$0x3FB5] =	sst s8  }
0x11: {  	[smem:$0x3FB6] =	sst s9;
	s0 =	simm.s32 @!p0 $0x0  }
0x12: {  	s1 =	sld [smem:$0x3F9C];
	s0 =	simm.s32 @p0 $0x1  }
0x13: {  	[smem:$0x3FB7] =	sst s0;
	s0 =	simm.s32 @!p1 $0x0  }
0x14: {  	s2 =	sld [smem:$0x3F9B];
	s0 =	simm.s32 @p1 $0x1  }
0x15: {  	[smem:$0x3FB8] =	sst s0;
	s0 =	simm.s32 @!p2 $0x0  }
0x16: {  	s3 =	sld [smem:$0x3FDB];
	s0 =	simm.s32 @p2 $0x1  }
0x17: {  	s4 =	simm.s32 $0x1BF5;
	[smem:$0x3FBA] =	sst s0  }
0x18: {  	s0 =	sld [smem:$0x3F9D];
	_ =	swait.ge [sflag:s4], $0x0  }
0x19: {  	s7 =	sld [smem:$0x3F9E]  }
0x1a: {  	s8 =	sadd.s32 $0xFFFFE003, lr  }
0x1b: {  	s9 =	sadd.s32 $0xFFFFFEF7, lr;
	s5 =	simm.s32 $0xFFFFFFFF;
	p2 =	slt.u32 s8, $0xFFFFF086  }
0x1c: {  	p1 =	slt.u32 s9, $0xF7A;
	s5 =	simm.s32 @!p2 $0x0  }
0x1d: {  	s5 =	simm.s32 @p1 $0x1;
	p0 =	seq.s32 s7, s2  }
0x1e: {  	s7 =	smul.u32 @!p0 $0xF7A, s2;
	p2 =	seq.s32 @!p0 s5, $0x0  }
0x1f: {  	s9 =	smul.u32 $0xF7A, s1;
	s8 =	simm.s32 @!p0 $0x1BF5;
	p2 =	por !p2, p0  }
0x20: {  	[sflag:s8] =	ssyncset.s32 @!p0 $0xFFFFF086;
	s6 =	sadd.s32 @!p0 s3, s7;
	s7 =	simm.s32 @!p0 $0x108  }
0x21: {  	s3 =	sadd.s32 s3, s9;
	s6 =	sadd.s32 @!p0 $0x88, s6;
	s7 =	simm.s32 @p2 $0x1082  }
0x22: {  	[simem:s7], [sflag:s8] =	dma.local @!p0 [hbm:s6], $0xF7A  }
0x23: {  	s9 =	sor.u32 $0xD0000000, s2;
	s6 =	simm.s32 $0x108;
	_ =	swait.ge @!p0 [sflag:s8], $0x0  }
0x24: {  	s3 =	sadd.s32 $0x88, s3;
	s6 =	simm.s32 @!p1 $0x1082;
	[sflag:s4] =	ssyncset.s32 $0xFFFFF086  }
0x25: {  	[simem:s6], [sflag:s4] =	dma.local [hbm:s3], $0xF7A  }
0x26: {  	[smem:$0x3F9E] =	sst s1;
	(tag) =	ssettag s2;
	_ =	strace s9  }
0x27: {  	s1 =	sld [smem:$0x3FAE]  }
0x28: {  	s2 =	sld [smem:$0x3FAF]  }
0x29: {  	s4 =	sld [smem:$0x3FB1]  }
0x2a: {  	p0 =	seq.s32 s5, $0x0;
	s5 =	sld [smem:$0x3FB2]  }
0x2b: {  	s6 =	sld [smem:$0x3FB3]  }
0x2c: {  	s7 =	sld [smem:$0x3FB4]  }
0x2d: {  	s3 =	simm.s32 $0x108;
	s8 =	sld [smem:$0x3FB5]  }
0x2e: {  	s3 =	simm.s32 @!p0 $0x1082;
	s9 =	sld [smem:$0x3FB6]  }
0x2f: {  	lr =	sadd.s32 s0, s3;
	s0 =	sld [smem:$0x3FAD]  }
0x30: {  	s3 =	sld [smem:$0x3FB0]  }
0x31: {  	[smem:$0x3FB9] =	sst s10  }
0x32: {  	s10 =	sld [smem:$0x3FB7];
	_ =	sdelay $0x3  }
0x33: {  	p0 =	seq.s32 s10, $0x1;
	s10 =	sld [smem:$0x3FB9];
	_ =	sdelay $0x3  }
0x34: {  	[smem:$0x3FB9] =	sst s10  }
0x35: {  	s10 =	sld [smem:$0x3FB8];
	_ =	sdelay $0x3  }
0x36: {  	p1 =	seq.s32 s10, $0x1;
	s10 =	sld [smem:$0x3FB9];
	_ =	sdelay $0x3  }
0x37: {  	[smem:$0x3FB9] =	sst s10  }
0x38: {  	s10 =	sld [smem:$0x3FBA]  }
0x39: {  	_ = 	snop;
	(pc) =	sbr.ind lr, $3  }
0x3a: {  	_ = 	snop  }
0x3b: {  	_ = 	snop  }
0x3c: {  	p2 =	seq.s32 s10, $0x1;
	s10 =	sld [smem:$0x3FB9]  }
0x3d: {  	_ =	shalt  }
0x3e: {  	_ =	shalt  }
0x3f: {  	_ =	shalt  }
0x40: {  	_ =	shalt  }
0x41: {  	_ =	shalt  }
0x42: {  	_ =	shalt  }
0x43: {  	_ =	shalt  }
0x44: {  	_ =	shalt  }
0x45: {  	_ =	shalt  }
0x46: {  	_ =	shalt  }
0x47: {  	_ =	shalt  }
0x48: {  	_ =	shalt  }
0x49: {  	_ =	shalt  }
0x4a: {  	_ =	shalt  }
0x4b: {  	_ =	shalt  }
0x4c: {  	_ =	shalt  }
0x4d: {  	_ =	shalt  }
0x4e: {  	_ =	shalt  }
0x4f: {  	_ =	shalt  }
0x50: {  	_ =	shalt  }
0x51: {  	_ =	shalt  }
0x52: {  	_ =	shalt  }
0x53: {  	_ =	shalt  }
0x54: {  	_ =	shalt  }
0x55: {  	_ =	shalt  }
0x56: {  	_ =	shalt  }
0x57: {  	_ =	shalt  }
0x58: {  	_ =	shalt  }
0x59: {  	_ =	shalt  }
0x5a: {  	_ =	shalt  }
0x5b: {  	_ =	shalt  }
0x5c: {  	_ =	shalt  }
0x5d: {  	_ =	shalt  }
0x5e: {  	_ =	shalt  }
0x5f: {  	_ =	shalt  }
0x60: {  	_ =	shalt  }
0x61: {  	_ =	shalt  }
0x62: {  	_ =	shalt  }
0x63: {  	_ =	shalt  }
0x64: {  	_ =	shalt  }
0x65: {  	_ =	shalt  }
0x66: {  	_ =	shalt  }
0x67: {  	_ =	shalt  }
0x68: {  	_ =	shalt  }
0x69: {  	_ =	shalt  }
0x6a: {  	_ =	shalt  }
0x6b: {  	_ =	shalt  }
0x6c: {  	_ =	shalt  }
0x6d: {  	_ =	shalt  }
0x6e: {  	_ =	shalt  }
0x6f: {  	_ =	shalt  }
0x70: {  	_ =	shalt  }
0x71: {  	_ =	shalt  }
0x72: {  	_ =	shalt  }
0x73: {  	_ =	shalt  }
0x74: {  	_ =	shalt  }
0x75: {  	_ =	shalt  }
0x76: {  	_ =	shalt  }
0x77: {  	_ =	shalt  }
0x78: {  	_ =	shalt  }
0x79: {  	_ =	shalt  }
0x7a: {  	_ =	shalt  }
0x7b: {  	_ =	shalt  }
0x7c: {  	_ =	shalt  }
0x7d: {  	_ =	shalt  }
0x7e: {  	_ =	shalt  }
0x7f: {  	_ =	shalt  }
0x80: {  	_ =	shalt  }
0x81: {  	_ =	shalt  }
0x82: {  	_ =	shalt  }
0x83: {  	_ =	shalt  }
0x84: {  	_ =	shalt  }
0x85: {  	_ =	shalt  }
0x86: {  	_ =	shalt  }
0x87: {  	_ =	shalt  }
.Lfunc_end0:
.L_simem_size_0:
called_computation_lowered:
.L_overlay_start_0:
0x88: {  	s2 =	sld [smem:$0x3FD9]  }
0x89: {  	s3 =	sld [smem:$0x3FFE];
	_ =	sdelay $0x1  }
0x8a: {  	s1 =	srdreg.scid  }
0x8b: {  	s0 =	sand.u32 $0x1, s1  }
0x8c: {  	s17 =	sshll.u32 s0, $0xA;
	s2 =	sadd.s32 s3, s2  }
0x8d: {  	s2 =	sadd.s32 s2, s17  }
0x8e: {  	[smem:$0x3FC5] =	sst s2  }
0x8f: {  	_ = 	snop  }
0x90: {  	s2 =	sld [smem:$0x3FC8]  }
0x91: {  	s18 =	sld [smem:$0x3FD0];
	(tm) =	ssettm $0x1  }
0x92: {  	s4 =	sld [smem:$0x3FFB];
	_ =	sdelay $0x3  }
0x93: {  	_ =	strace s4  }
0x94: {  	s4 =	sld [smem:$0x3FFC];
	_ =	sdelay $0x3  }
0x95: {  	_ =	strace s4  }
0x96: {  	s4 =	sld [smem:$0x3FFD];
	_ =	sdelay $0x3  }
0x97: {  	_ =	strace s4  }
0x98: {  	_ =	strace $0x8FFFFFFF  }
0x99: {  	s19 =	sld [smem:$0x3FDB];
	_ =	sdelay $0x1  }
0x9a: {  	s5 =	simm.s32 $_scs_section_size  }
0x9b: {  	s6 =	simm.s32 $_size__tile_overlayer_lowered;
	s7 =	simm.s32 $_tile_overlayer_lowered  }
0x9c: {  	s22 =	simm.s32 $0x1BFF;
	s21 =	sshll.u32 s7, $0x1;
	s4 =	sadd.s32 s5, s19  }
0x9d: {  	s8 =	simm.s32 $0x0;
	s20 =	sshll.u32 s6, $0x1;
	s6 =	sadd.s32 s21, s4  }
0x9e: {  	[timem:s8], [sflag:s22] =	dma.local [hbm:s6], s20  }
0x9f: {  	_ =	swait.ge [sflag:s22], s20  }
0xa0: {  	s5 =	ssub.s32 $0x0, s20;
	[sflag:s22] =	ssyncset.done $0x0  }
0xa1: {  	[sflag:s22] =	ssyncadd.s32 s5;
	_ =	sdelay $0x1  }
0xa2: {  	s23 =	simm.s32 $0x1B8B  }
0xa3: {  	_ =	swait.ge [sflag:s23], $0x1  }
0xa4: {  	[sflag:s23] =	ssyncset.done $0x0  }
0xa5: {  	s25 =	simm.s32 $0x1B8E;
	s24 =	sld [smem:$0x3FFE];
	[sflag:s23] =	ssyncadd.s32 $0xFFFFFFFF  }
0xa6: {  	s26 =	simm.s32 $execute0_lowered;
	[smem:$0x3FD2] =	sst s25  }
0xa7: {  	s6 =	sshll.u32 s26, $0x1;
	_ =	strace $0x80000046;
	[dreg:$0x1] =	wrdreg $0xFFFFFFFF  }
0xa8: {  	s28 =	simm.s32 $_size_execute0_lowered;
	s4 =	sadd.s32 s4, s6;
	[dreg:$0x0] =	wrdreg $0x0  }
0xa9: {  	s6 =	sshll.u32 s28, $0x1;
	[dreg:$0x2] =	wrdreg s4  }
0xaa: {  	[dreg:$0x3] =	wrdreg s6  }
0xab: {  	[dreg:$0x4] =	wrdreg $0xC0  }
0xac: {  	_ =	task [dreg:s8], $0x5FFFF  }
0xad: {  	[dreg:$0x1] =	wrdreg $0xFFFFFFFF  }
0xae: {  	[dreg:$0x0] =	wrdreg $0x60  }
0xaf: {  	[dreg:$0x2] =	wrdreg s2  }
0xb0: {  	[dreg:$0x3] =	wrdreg s18  }
0xb1: {  	[dreg:$0x4] =	wrdreg s24  }
0xb2: {  	[dreg:$0x5] =	wrdreg $0x9  }
0xb3: {  	_ =	task.clear_ibuf [dreg:s8], $0x6FFFF;
	_ =	strace $0x90000046  }
0xb4: {  	s29 =	simm.s32 $0x9;
	_ =	strace $0x80000048  }
0xb5: {  	_ =	swait.ge [sflag:s29], $0x1  }
0xb6: {  	[sflag:s29] =	ssyncadd.s32 $0xFFFFFFFF  }
0xb7: {  	_ =	strace $0x90000048  }
0xb8: {  	_ =	sfence  }
0xb9: {  	s30 =	sld [smem:$0x0];
	_ =	sdelay $0x2  }
0xba: {  	s31 =	sshll.u32 s1, $0xD;
	s1 =	sshrl.u32 s1, $0x2  }
0xbb: {  	s3 =	sand.u32 $0x4000, s31;
	s1 =	sadd.s32 s1, s30  }
0xbc: {  	s0 =	sor.u32 s3, s0;
	s1 =	sshll.u32 s1, $0x11  }
0xbd: {  	s0 =	sor.u32 s1, s0  }
0xbe: {  	s0 =	sadd.s32 $0x8F2B, s0  }
0xbf: {  	[sflag:s0] =	ssyncadd.remote.s32 $0x1  }
0xc0: {  	_ =	sfence.sel $0xFFFF  }
0xc1: {  	[dreg:$0x0] =	wrdreg $0xFFFFFFFF;
	(pc) =	sbr.abs _section_cstart, $3  }
0xc2: {  	[dreg:$0x1] =	wrdreg $0xFFFFFFFF  }
0xc3: {  	_ =	task.clear_ibuf [dreg:s8], $0x2FFFF;
	_ =	strace $0x9FFFFFFF  }
0xc4: {  	(tm) =	ssettm $0x7FFFFFFF  }
0xc5: {  	_ =	shalt  }
tec
execute0_lowered:
.L_overlay_start_1:
0x0: {  	(tag) =	ssettag $0x1  }
0x1: {  	s1 =	stileid.u32  }
0x2: {  	p0 =	sgt.u32 s1, $0x3  }
.Ltmp0:
0x3: {  	s4 =	rddreg [dreg:$0x0];
	(pc) =	sbr.rel @p0 .LBB2_4-.Ltmp0, $4  }
0x4: {  	s2 =	rddreg [dreg:$0x1]  }
0x5: {  	s11 =	rddreg [dreg:$0x2];
	s3 =	simm.s32 $0x0  }
0x6: {  	[smem:$0x7FF] =	sst s3  }
0x7: {  	s0 =	rddreg [dreg:$0x3];
	_ =	strace $0x80000047  }
0x8: {  	s5 =	srdreg.scid  }
0x9: {  	s12 =	sand.u32 $0x1, s5  }
0xa: {  	s30 =	sshll.u32 s1, $0x2;
	s6 =	sshll.u32 s12, $0x1  }
0xb: {  	s13 =	sor.u32 s6, s30  }
0xc: {  	s5 =	sadd.s32 s4, s13;
	s4 =	simm.s32 $0x2  }
0xd: {  	[tilespmem:s3], [sflag:$0x2] =	stream.linear.gather [hbm4b:s5+s3], $0x10, $0x38;
	[tilespmem:$0x180] =	vst v63  }
0xe: {  	_ =	swait.ge [sflag:s4], $0x10  }
0xf: {  	s7 =	simm.s32 $0x80;
	[sflag:s4] =	ssyncset.done $0x0  }
0x10: {  	s8 =	simm.s32 $0x1;
	s6 =	simm.s32 $0x10;
	[sflag:s4] =	ssyncadd.s32 $0xFFFFFFF0  }
0x11: {  	[tilespmem:s7], [sflag:$0x1] =	stream.indirect.gather [hbm4b:s2+s6], $0x1, s3, s6, $0xb8;
	[tilespmem:$0x180] =	vst v63  }
0x12: {  	_ =	swait.ge [sflag:s8], $0x10  }
0x13: {  	s9 =	sadd.s32 $0xC00, s11;
	[sflag:s8] =	ssyncset.done $0x0  }
0x14: {  	s10 =	simm.s32 $0x100;
	s12 =	ssub.s32 $0x2, s12;
	[sflag:s8] =	ssyncadd.s32 $0xFFFFFFF0  }
0x15: {  	[tilespmem:s10], [sflag:$0x1] =	stream.indirect.gather [hbm4b:s9+s6], $0x1, s3, s6, $0xb8;
	[tilespmem:$0x180] =	vst v63  }
0x16: {  	s14 =	sshrl.u32 s12, $0x1;
	_ =	swait.ge [sflag:s8], $0x10  }
0x17: {  	s13 =	sadd.s32 s13, s11;
	s14 =	ssub.s32 s12, s14;
	[sflag:s8] =	ssyncset.done $0x0  }
0x18: {  	s11 =	sadd.s32 $0xE00, s13;
	s31 =	smax.u32 s14, $0x1;
	[sflag:s8] =	ssyncadd.s32 $0xFFFFFFF0  }
0x19: {  	[hbm4b:s11+s3] =	stream.linear.scatter [tilespmem:s7], [sflag:$0x2], $0x10, $0x38;
	[tilespmem:$0x180] =	vst v63  }
0x1a: {  	p0 =	sne.s32 s31, $0x1;
	_ =	swait.ge [sflag:s4], $0x10  }
.Ltmp1:
0x1b: {  	[sflag:s4] =	ssyncset.done $0x0;
	(pc) =	sbr.rel @!p0 .LBB2_3-.Ltmp1, $4  }
0x1c: {  	s12 =	sadd.s32 $0x1000, s13;
	[sflag:s4] =	ssyncadd.s32 $0xFFFFFFF0  }
0x1d: {  	[hbm4b:s12+s3] =	stream.linear.scatter [tilespmem:s10], [sflag:$0x2], $0x10, $0x38;
	[tilespmem:$0x180] =	vst v63  }
0x1e: {  	_ =	swait.ge [sflag:s4], $0x10  }
0x1f: {  	s13 =	sadd.s32 $0xFFFFFFFF, s31;
	[sflag:s4] =	ssyncset.done $0x0  }
.LBB2_2:
0x20: {  	p0 =	sne.s32 s13, $0x1;
	s13 =	sadd.s32 $0xFFFFFFFF, s13;
	[sflag:s4] =	ssyncadd.s32 $0xFFFFFFF0  }
0x21: {  	[tilespmem:s3], [sflag:$0x2] =	stream.linear.gather [hbm4b:s5+s3], $0x10, $0x38;
	[tilespmem:$0x180] =	vst v63  }
0x22: {  	_ =	swait.ge [sflag:s4], $0x10  }
0x23: {  	[sflag:s4] =	ssyncset.done $0x0  }
0x24: {  	[sflag:s4] =	ssyncadd.s32 $0xFFFFFFF0  }
0x25: {  	[tilespmem:s7], [sflag:$0x1] =	stream.indirect.gather [hbm4b:s2+s6], $0x1, s3, s6, $0xb8;
	[tilespmem:$0x180] =	vst v63  }
0x26: {  	_ =	swait.ge [sflag:s8], $0x10  }
0x27: {  	[sflag:s8] =	ssyncset.done $0x0  }
0x28: {  	[sflag:s8] =	ssyncadd.s32 $0xFFFFFFF0  }
0x29: {  	[tilespmem:s10], [sflag:$0x1] =	stream.indirect.gather [hbm4b:s9+s6], $0x1, s3, s6, $0xb8;
	[tilespmem:$0x180] =	vst v63  }
0x2a: {  	_ =	swait.ge [sflag:s8], $0x10  }
0x2b: {  	[sflag:s8] =	ssyncset.done $0x0  }
0x2c: {  	[sflag:s8] =	ssyncadd.s32 $0xFFFFFFF0  }
0x2d: {  	[hbm4b:s11+s3] =	stream.linear.scatter [tilespmem:s7], [sflag:$0x2], $0x10, $0x38;
	[tilespmem:$0x180] =	vst v63  }
0x2e: {  	_ =	swait.ge [sflag:s4], $0x10  }
.Ltmp2:
0x2f: {  	[sflag:s4] =	ssyncset.done $0x0;
	(pc) =	sbr.rel @p0 .LBB2_2-.Ltmp2, $4  }
0x30: {  	[sflag:s4] =	ssyncadd.s32 $0xFFFFFFF0  }
0x31: {  	[hbm4b:s12+s3] =	stream.linear.scatter [tilespmem:s10], [sflag:$0x2], $0x10, $0x38;
	[tilespmem:$0x180] =	vst v63  }
0x32: {  	_ =	swait.ge [sflag:s4], $0x10  }
0x33: {  	[sflag:s4] =	ssyncset.done $0x0  }
.LBB2_3:
0x34: {  	[sflag:s4] =	ssyncadd.s32 $0xFFFFFFF0  }
.LBB2_4:
0x35: {  	_ =	sfence.sel $0x180000  }
0x36: {  	[bflag:$0x0] =	sbarrier.arrive $0xFFFF  }
0x37: {  	p0 =	sne.s32 s1, $0x0;
	_ =	strace $0x90000047  }
0x38: {  	s0 =	sadd.s32 @!p0 $0x100000, s0;
	[bflag:$0x2] =	sbarrier.arrive $0xFFFF  }
0x39: {  	[sflag:s0] =	ssyncadd.tile.s32 @!p0 $0x1;
	_ =	shalt  }
.Lfunc_end2:
_tile_overlayer_lowered:
.L_overlay_start_2:
0x3a: {  	(tag) =	ssettag $0x2  }
0x3b: {  	s0 =	rddreg [dreg:$0x0];
	s2 =	stileid.u32  }
0x3c: {  	s1 =	rddreg [dreg:$0x1];
	p0 =	sne.s32 s2, $0x0  }
0x3d: {  	s3 =	rddreg [dreg:$0x2];
	[bflag:$0x3] =	sbarrier.arrive $0xFFFF;
	s2 =	simm.s32 @!p0 $0x1C02  }
0x3e: {  	[timem:s3], [sflag:s2] =	dma.local @!p0 [hbm:s0], s1  }
0x3f: {  	s0 =	simm.s32 @!p0 $0x2  }
0x40: {  	_ =	swait.ge @!p0 [sflag:s0], s1  }
0x41: {  	s1 =	ssub.s32 @!p0 $0x0, s1;
	[sflag:s0] =	ssyncset.done @!p0 $0x0  }
0x42: {  	[sflag:s0] =	ssyncadd.s32 @!p0 s1  }
0x43: {  	[bflag:$0x3] =	sbarrier.arrive $0xFFFF  }
0x44: {  	_ =	shalt  }

</sc_bundles>
